<compile_context>
chip_gen: v7x
topology: tpu7x:2x2x1
jax: 0.10.2.dev20260603
libtpu: 0.0.44.dev20260713+nightly
codegen_flags: <defaults>
</compile_context>

<pallas_src>
import functools

import jax
import jax.numpy as jnp
from jax import lax
from jax.experimental import pallas as pl
from jax.experimental.pallas import tpu as pltpu
from jax.experimental.pallas import tpu_sc as plsc

W = 512
H = 512
BW = 128
BH = 64
TX = W // BW
TY = H // BH
NT = TX * TY
NP = 2048
L = 16

P_COLS = 16


def _binning_body(ptab_hbm, ord_hbm, idx_hbm, cnt_hbm, ptab_v, ord_v, idx_v, cnt_v):
    nc = 2
    wid = lax.axis_index("s") * nc + lax.axis_index("c")
    ty = wid // TX
    tx = wid - ty * TX
    x0 = (tx * BW).astype(jnp.float32)
    x1 = x0 + float(BW)
    y0 = (ty * BH).astype(jnp.float32)
    y1 = y0 + float(BH)

    pltpu.sync_copy(ptab_hbm, ptab_v)
    pltpu.sync_copy(ord_hbm, ord_v)

    ones = jnp.full((L,), 1, jnp.int32)
    zeros_i = jnp.full((L,), 0, jnp.int32)
    trash = jnp.full((L,), NP + L, jnp.int32)
    x1v = jnp.full((L,), x1, jnp.float32)
    x0v = jnp.full((L,), x0, jnp.float32)
    y1v = jnp.full((L,), y1, jnp.float32)
    y0v = jnp.full((L,), y0, jnp.float32)
    zf = jnp.full((L,), 0.0, jnp.float32)
    c_xmin = jnp.full((L,), 9 * NP, jnp.int32)
    c_xmax = jnp.full((L,), 10 * NP, jnp.int32)
    c_ymin = jnp.full((L,), 11 * NP, jnp.int32)
    c_ymax = jnp.full((L,), 12 * NP, jnp.int32)
    c_op = jnp.full((L,), 5 * NP, jnp.int32)

    def chunk(i, cnt):
        gids = ord_v[pl.ds(i * L, L)]
        xmin = plsc.load_gather(ptab_v, [gids + c_xmin])
        xmax = plsc.load_gather(ptab_v, [gids + c_xmax])
        ymin = plsc.load_gather(ptab_v, [gids + c_ymin])
        ymax = plsc.load_gather(ptab_v, [gids + c_ymax])
        op = plsc.load_gather(ptab_v, [gids + c_op])
        pred = ((xmin < x1v) & (xmax > x0v) & (ymin < y1v) & (ymax > y0v)
                & (op > zf))
        predi = jnp.where(pred, ones, zeros_i)
        csum = plsc.cumsum(predi)
        cntv = jnp.full((L,), cnt, jnp.int32)
        dst = jnp.where(pred, cntv + csum - predi, trash)
        plsc.store_scatter(idx_v, [dst], gids)
        return cnt + jnp.sum(predi)

    cnt = lax.fori_loop(0, NP // L, chunk, jnp.int32(0))
    cnt_v[...] = jnp.full((L,), cnt, jnp.int32)
    pltpu.sync_copy(idx_v.at[pl.ds(0, NP)], idx_hbm.at[wid])
    pltpu.sync_copy(cnt_v, cnt_hbm.at[wid, pl.ds(0, L)])


_binning_kernel = functools.partial(
    pl.kernel,
    mesh=plsc.VectorSubcoreMesh(core_axis_name="c", subcore_axis_name="s"),
    compiler_params=pltpu.CompilerParams(needs_layout_passes=False),
    out_type=[
        jax.ShapeDtypeStruct((NT, NP), jnp.int32),
        jax.ShapeDtypeStruct((NT, 128), jnp.int32),
    ],
    scratch_types=[
        pltpu.VMEM((P_COLS * NP,), jnp.float32),
        pltpu.VMEM((NP,), jnp.int32),
        pltpu.VMEM((NP + 2 * L,), jnp.int32),
        pltpu.VMEM((L,), jnp.int32),
    ],
)(_binning_body)


def _composite_kernel(params_ref, idx_ref, cnt_ref, out_ref):
    ty = pl.program_id(0)
    tx = pl.program_id(1)
    y0f = (ty * BH).astype(jnp.float32)
    x0f = (tx * BW).astype(jnp.float32)
    ys = lax.broadcasted_iota(jnp.int32, (BH, BW), 0).astype(jnp.float32) + y0f
    xs = lax.broadcasted_iota(jnp.int32, (BH, BW), 1).astype(jnp.float32) + x0f
    out_ref[...] = jnp.zeros((3, BH, BW), jnp.float32)
    n = cnt_ref[0]

    def body(j, carry):
        g = idx_ref[j]
        u = params_ref[0, g]
        v = params_ref[1, g]
        pa = params_ref[2, g]
        pb = params_ref[3, g]
        pc = params_ref[4, g]
        op = params_ref[5, g]
        cr = params_ref[6, g]
        cg = params_ref[7, g]
        cb = params_ref[8, g]
        xmin = params_ref[9, g]
        xmax = params_ref[10, g]
        ymin = params_ref[11, g]
        ymax = params_ref[12, g]
        dx = xs - u
        dy = ys - v
        e = (pa * dx) * dx + (pb * dx) * dy + (pc * dy) * dy
        alpha = jnp.exp(e) * op
        mask = (xs >= xmin) & (xs < xmax) & (ys >= ymin) & (ys < ymax)
        alpha = jnp.where(mask, alpha, 0.0)
        om = 1.0 - alpha
        out_ref[0, :, :] = cr * alpha + out_ref[0, :, :] * om
        out_ref[1, :, :] = cg * alpha + out_ref[1, :, :] * om
        out_ref[2, :, :] = cb * alpha + out_ref[2, :, :] * om
        return carry

    lax.fori_loop(0, n, body, 0)


def kernel(means, covariance_matrices, colors, opacities, R, t, fx, fy, cx, cy, width, height):
    n = means.shape[0]
    means_cam = jnp.matmul(R, means.T).T + t
    z = means_cam[:, 2]
    u = means_cam[:, 0] / z * fx + cx
    v = means_cam[:, 1] / z * fy + cy
    cov_cam = jnp.einsum('ij,njk,lk->nil', R, covariance_matrices, R)
    zeros = jnp.zeros_like(z)
    J = jnp.stack([
        jnp.stack([fx / z, zeros, -fx * means_cam[:, 0] / (z * z)], axis=1),
        jnp.stack([zeros, fy / z, -fy * means_cam[:, 1] / (z * z)], axis=1),
    ], axis=1)
    cov_2d = jnp.einsum('nij,njk,nlk->nil', J, cov_cam, J)

    a = cov_2d[:, 0, 0]
    b = cov_2d[:, 0, 1]
    c = cov_2d[:, 1, 1]

    det = a * c - b * b
    pa = -0.5 * c / det
    pb = b / det
    pc = -0.5 * a / det

    m = 0.5 * (a + c)
    d = 0.5 * (a - c)
    r = jnp.sqrt(d * d + b * b)
    s0 = 3.0 * jnp.sqrt(jnp.abs(m - r))
    s1 = 3.0 * jnp.sqrt(jnp.abs(m + r))
    rd = r - d
    vn = jnp.sqrt(b * b + rd * rd)
    safe = vn > 1e-20
    iv = 1.0 / jnp.where(safe, vn, 1.0)
    ext_x = jnp.where(safe, jnp.maximum(s0 * rd, s1 * jnp.abs(b)) * iv, s1)
    ext_y = jnp.where(safe, jnp.maximum(s0 * jnp.abs(b), s1 * rd) * iv, s0)

    width_f = jnp.asarray(width, jnp.float32)
    height_f = jnp.asarray(height, jnp.float32)
    xmin = jnp.maximum(0.0, jnp.floor(u - ext_x))
    xmax = jnp.minimum(width_f, jnp.ceil(u + ext_x))
    ymin = jnp.maximum(0.0, jnp.floor(v - ext_y))
    ymax = jnp.minimum(height_f, jnp.ceil(v + ext_y))

    op_live = opacities * (z > 0.0).astype(jnp.float32)

    order = jnp.argsort(-z, stable=True).astype(jnp.int32)
    order = jnp.pad(order, (0, NP - n), constant_values=NP - 1)

    zero = jnp.zeros_like(u)
    params = jnp.stack([
        u, v, pa, pb, pc, op_live, colors[:, 0], colors[:, 1], colors[:, 2],
        xmin, xmax, ymin, ymax, zero, zero, zero,
    ])
    params = jnp.pad(params, ((0, 0), (0, NP - n)))

    idx_lists, cnts = _binning_kernel(jnp.reshape(params, (P_COLS * NP,)), order)
    idx_flat = jnp.reshape(idx_lists, (NT * NP,))
    cnt_flat = jnp.reshape(cnts, (NT * 128,))

    img = pl.pallas_call(
        _composite_kernel,
        grid=(TY, TX),
        in_specs=[
            pl.BlockSpec((P_COLS, NP), lambda ty, tx: (0, 0),
                         memory_space=pltpu.SMEM),
            pl.BlockSpec((NP,), lambda ty, tx: (ty * TX + tx,),
                         memory_space=pltpu.SMEM),
            pl.BlockSpec((128,), lambda ty, tx: (ty * TX + tx,),
                         memory_space=pltpu.SMEM),
        ],
        out_specs=pl.BlockSpec((3, BH, BW), lambda ty, tx: (0, ty, tx)),
        out_shape=jax.ShapeDtypeStruct((3, H, W), jnp.float32),
    )(params, idx_flat, cnt_flat)
    return jnp.transpose(img, (1, 2, 0))

# --- scband reference (transcript-rebuilt; emitter-appended) ---
"""Pipeline reference for scband-gaussian-renderer-64725157151169 (READ-ONLY COPY).

The authoritative reference and input builder live on the scoring server;
editing this copy changes nothing except your own understanding.
"""

import jax, jax.numpy as jnp
import numpy as np


def setup_inputs(seed: int = 0):
    key = jax.random.key(seed)
    N = 2000
    k1, k2, k3, k4, k5 = jax.random.split(key, 5)
    xy = jax.random.normal(k1, (N, 2), dtype=jnp.float32) * 1.5
    z = jax.random.uniform(k2, (N,), minval=3.0, maxval=9.0, dtype=jnp.float32)
    means = jnp.concatenate([xy, z[:, None]], axis=1)
    A = jax.random.normal(k3, (N, 3, 3), dtype=jnp.float32) * 0.02
    covariance_matrices = jnp.matmul(A, jnp.swapaxes(A, -1, -2)) + 1e-4 * jnp.eye(3, dtype=jnp.float32)
    colors = jax.random.uniform(k4, (N, 3), dtype=jnp.float32)
    opacities = jax.random.uniform(k5, (N,), dtype=jnp.float32) * 0.9 + 0.05
    theta = 0.1
    R = jnp.array([[np.cos(theta), 0.0, np.sin(theta)], [0.0, 1.0, 0.0], [-np.sin(theta), 0.0, np.cos(theta)]], dtype=jnp.float32)
    t = jnp.zeros((3,), dtype=jnp.float32)
    return {"means": means, "covariance_matrices": covariance_matrices, "colors": colors, "opacities": opacities, "R": R, "t": t, "fx": 400.0, "fy": 400.0, "cx": 256.0, "cy": 256.0, "width": 512, "height": 512}


def reference(means, covariance_matrices, colors, opacities, R, t, fx, fy, cx, cy, width, height):
    W_STATIC = 512
    H_STATIC = 512
    # --- vectorized projection (jnp) ---
    means_cam = jnp.matmul(R, means.T).T + t
    z = means_cam[:, 2]
    u = means_cam[:, 0] / z * fx + cx
    v = means_cam[:, 1] / z * fy + cy
    means_2d = jnp.stack([u, v], axis=1)
    cov_cam = jnp.einsum('ij,njk,lk->nil', R, covariance_matrices, R)
    zeros = jnp.zeros_like(z)
    J = jnp.stack([
        jnp.stack([fx / z, zeros, -fx * means_cam[:, 0] / (z * z)], axis=1),
        jnp.stack([zeros, fy / z, -fy * means_cam[:, 1] / (z * z)], axis=1),
    ], axis=1)
    cov_2d = jnp.einsum('nij,njk,nlk->nil', J, cov_cam, J)
    # --- depth-ordered alpha compositing (data-dependent loop, concrete values) ---
    order = jnp.argsort(-z, stable=True)
    ys_g, xs_g = jnp.meshgrid(jnp.arange(H_STATIC), jnp.arange(W_STATIC), indexing='ij')
    coords = jnp.stack([xs_g, ys_g], axis=-1).astype(jnp.float32)
    width_f = jnp.asarray(width, dtype=jnp.float32)
    height_f = jnp.asarray(height, dtype=jnp.float32)
    image0 = jnp.zeros((H_STATIC, W_STATIC, 3), dtype=jnp.float32)
    accum0 = jnp.zeros((H_STATIC, W_STATIC, 1), dtype=jnp.float32)

    def body(i, state):
        image, accum = state
        idx = order[i]
        cov = cov_2d[idx]
        mean = means_2d[idx]
        w_, V = jnp.linalg.eigh(cov)
        size = 3.0 * jnp.sqrt(jnp.abs(w_))
        corners = jnp.stack([
            mean + size[0] * V[:, 0],
            mean - size[0] * V[:, 0],
            mean + size[1] * V[:, 1],
            mean - size[1] * V[:, 1],
        ])
        x_min = jnp.maximum(0.0, jnp.floor(jnp.min(corners[:, 0])))
        y_min = jnp.maximum(0.0, jnp.floor(jnp.min(corners[:, 1])))
        x_max = jnp.minimum(width_f, jnp.ceil(jnp.max(corners[:, 0])))
        y_max = jnp.minimum(height_f, jnp.ceil(jnp.max(corners[:, 1])))
        cov_inv = jnp.linalg.inv(cov)
        diff = coords - mean
        dist = jnp.einsum('hwi,ij,hwj->hw', diff, cov_inv, diff)
        alpha = jnp.exp(-0.5 * dist)[..., None] * opacities[idx]
        in_box = (coords[..., 0] >= x_min) & (coords[..., 0] < x_max) & (coords[..., 1] >= y_min) & (coords[..., 1] < y_max)
        live = (z[idx] > 0) & in_box
        alpha = jnp.where(live[..., None], alpha, 0.0)
        image = colors[idx] * alpha + image * (1.0 - alpha)
        accum = alpha + accum * (1.0 - alpha)
        return image, accum

    image, accum = jax.lax.fori_loop(0, order.shape[0], body, (image0, accum0))
    return jnp.asarray(image)

if __name__ == "__main__":
    import jax
    _d = setup_inputs()
    print(jax.jit(kernel)(*tuple(_d.values())))

</pallas_src>

<mosaic_0001>
#map = affine_map<(d0, d1) -> (0)>
#map1 = affine_map<(d0, d1) -> (0, 0)>
module attributes {stable_mosaic.version = 14 : i64} {
  func.func @_binning_body(%arg0: i32, %arg1: i32, %arg2: memref<32768xf32, #tpu.memory_space<hbm>>, %arg3: memref<2048xi32, #tpu.memory_space<hbm>>, %arg4: memref<32x2048xi32, #tpu.memory_space<hbm>>, %arg5: memref<32x128xi32, #tpu.memory_space<hbm>>, %arg6: memref<32768xf32, #tpu.memory_space<vmem>>, %arg7: memref<2048xi32, #tpu.memory_space<vmem>>, %arg8: memref<2080xi32, #tpu.memory_space<vmem>>, %arg9: memref<16xi32, #tpu.memory_space<vmem>>) attributes {dimension_semantics = [#tpu.dimension_semantics<core_parallel>, #tpu.dimension_semantics<subcore_parallel>], iteration_bounds = array<i64: 2, 16>, scalar_prefetch = 0 : i64, scratch_operands = 4 : i64, tpu.core_type = #tpu.core_type<sc_vector_subcore>, window_params = [{transform_indices = #map}, {transform_indices = #map}, {transform_indices = #map1}, {transform_indices = #map1}]} {
    %mul3A = arith.constant 2 : i32
    %mul3A_0 = arith.muli %arg1, %mul3A : i32
    %add3A = arith.addi %mul3A_0, %arg0 : i32
    %jit3A = arith.constant 4 : i32
    %div3A = arith.divsi %add3A, %jit3A : i32
    %sign3A = arith.constant 0 : i32
    %sign3A_1 = arith.cmpi sgt, %add3A, %sign3A : i32
    %sign3A_2 = arith.extui %sign3A_1 : i1 to i32
    %sign3A_3 = arith.constant 0 : i32
    %sign3A_4 = arith.cmpi slt, %add3A, %sign3A_3 : i32
    %sign3A_5 = arith.extui %sign3A_4 : i1 to i32
    %sign3A_6 = arith.subi %sign3A_2, %sign3A_5 : i32
    %sign3A_7 = arith.constant 0 : i32
    %sign3A_8 = arith.cmpi sgt, %jit3A, %sign3A_7 : i32
    %sign3A_9 = arith.extui %sign3A_8 : i1 to i32
    %sign3A_10 = arith.constant 0 : i32
    %sign3A_11 = arith.cmpi slt, %jit3A, %sign3A_10 : i32
    %sign3A_12 = arith.extui %sign3A_11 : i1 to i32
    %sign3A_13 = arith.subi %sign3A_9, %sign3A_12 : i32
    %ne3A = arith.cmpi ne, %sign3A_6, %sign3A_13 : i32
    %rem3A = arith.remsi %add3A, %jit3A : i32
    %ne3A_14 = arith.constant 0 : i32
    %ne3A_15 = arith.cmpi ne, %rem3A, %ne3A_14 : i32
    %and3A = arith.andi %ne3A, %ne3A_15 : i1
    %sub3A = arith.constant 1 : i32
    %sub3A_16 = arith.subi %div3A, %sub3A : i32
    %select_n3A = arith.select %and3A, %sub3A_16, %div3A : i32
    %mul3A_17 = arith.constant 4 : i32
    %mul3A_18 = arith.muli %select_n3A, %mul3A_17 : i32
    %sub3A_19 = arith.subi %add3A, %mul3A_18 : i32
    %mul3A_20 = arith.constant 128 : i32
    %mul3A_21 = arith.muli %sub3A_19, %mul3A_20 : i32
    %convert_element_type3A = arith.sitofp %mul3A_21 : i32 to f32
    %add3A_22 = arith.constant 1.280000e+02 : f32
    %add3A_23 = arith.addf %convert_element_type3A, %add3A_22 : f32
    %mul3A_24 = arith.constant 64 : i32
    %mul3A_25 = arith.muli %select_n3A, %mul3A_24 : i32
    %convert_element_type3A_26 = arith.sitofp %mul3A_25 : i32 to f32
    %add3A_27 = arith.constant 6.400000e+01 : f32
    %add3A_28 = arith.addf %convert_element_type3A_26, %add3A_27 : f32
    "tpu.region"() ({
      %run_scoped3A = tpu.sem_alloc : memref<!tpu.dma_semaphore, #tpu.memory_space<semaphore_mem>>
      tpu.enqueue_dma source(%arg2 : memref<32768xf32, #tpu.memory_space<hbm>>) target(%arg6 : memref<32768xf32, #tpu.memory_space<vmem>>) target_semaphore(%run_scoped3A : memref<!tpu.dma_semaphore, #tpu.memory_space<semaphore_mem>>)
      tpu.wait_dma2 semaphore(%run_scoped3A : memref<!tpu.dma_semaphore, #tpu.memory_space<semaphore_mem>>) src(%arg2 : memref<32768xf32, #tpu.memory_space<hbm>>) dst(%arg6 : memref<32768xf32, #tpu.memory_space<vmem>>)
      tpu.yield
    }) : () -> ()
    "tpu.region"() ({
      %run_scoped3A = tpu.sem_alloc : memref<!tpu.dma_semaphore, #tpu.memory_space<semaphore_mem>>
      tpu.enqueue_dma source(%arg3 : memref<2048xi32, #tpu.memory_space<hbm>>) target(%arg7 : memref<2048xi32, #tpu.memory_space<vmem>>) target_semaphore(%run_scoped3A : memref<!tpu.dma_semaphore, #tpu.memory_space<semaphore_mem>>)
      tpu.wait_dma2 semaphore(%run_scoped3A : memref<!tpu.dma_semaphore, #tpu.memory_space<semaphore_mem>>) src(%arg3 : memref<2048xi32, #tpu.memory_space<hbm>>) dst(%arg7 : memref<2048xi32, #tpu.memory_space<vmem>>)
      tpu.yield
    }) : () -> ()
    %broadcast_in_dim3A = arith.constant 1 : i32
    %broadcast_in_dim3A_29 = vector.broadcast %broadcast_in_dim3A : i32 to vector<16xi32>
    %broadcast_in_dim3A_30 = arith.constant 0 : i32
    %broadcast_in_dim3A_31 = vector.broadcast %broadcast_in_dim3A_30 : i32 to vector<16xi32>
    %broadcast_in_dim3A_32 = arith.constant 2064 : i32
    %broadcast_in_dim3A_33 = vector.broadcast %broadcast_in_dim3A_32 : i32 to vector<16xi32>
    %broadcast_in_dim3A_34 = vector.broadcast %add3A_23 : f32 to vector<16xf32>
    %broadcast_in_dim3A_35 = vector.broadcast %convert_element_type3A : f32 to vector<16xf32>
    %broadcast_in_dim3A_36 = vector.broadcast %add3A_28 : f32 to vector<16xf32>
    %broadcast_in_dim3A_37 = vector.broadcast %convert_element_type3A_26 : f32 to vector<16xf32>
    %broadcast_in_dim3A_38 = arith.constant 0.000000e+00 : f32
    %broadcast_in_dim3A_39 = vector.broadcast %broadcast_in_dim3A_38 : f32 to vector<16xf32>
    %broadcast_in_dim3A_40 = arith.constant 18432 : i32
    %broadcast_in_dim3A_41 = vector.broadcast %broadcast_in_dim3A_40 : i32 to vector<16xi32>
    %broadcast_in_dim3A_42 = arith.constant 20480 : i32
    %broadcast_in_dim3A_43 = vector.broadcast %broadcast_in_dim3A_42 : i32 to vector<16xi32>
    %broadcast_in_dim3A_44 = arith.constant 22528 : i32
    %broadcast_in_dim3A_45 = vector.broadcast %broadcast_in_dim3A_44 : i32 to vector<16xi32>
    %broadcast_in_dim3A_46 = arith.constant 24576 : i32
    %broadcast_in_dim3A_47 = vector.broadcast %broadcast_in_dim3A_46 : i32 to vector<16xi32>
    %broadcast_in_dim3A_48 = arith.constant 10240 : i32
    %broadcast_in_dim3A_49 = vector.broadcast %broadcast_in_dim3A_48 : i32 to vector<16xi32>
    %scan3A = arith.constant 0 : i32
    %scan3A_50 = arith.constant 0 : i32
    %scan3A_51 = arith.constant 128 : i32
    %scan3A_52 = arith.addi %scan3A_50, %scan3A_51 : i32
    %scan3A_53 = arith.constant 1 : i32
    %scan3A_54 = scf.for %scan3A_58 = %scan3A_50 to %scan3A_52 step %scan3A_53 iter_args(%scan3A_59 = %scan3A) -> (i32)  : i32 {
      %mul3A_60 = arith.constant 16 : i32
      %mul3A_61 = arith.muli %scan3A_58, %mul3A_60 : i32
      %get3A = arith.index_cast %mul3A_61 : i32 to index
      %get3A_62 = tpu.vector_load %arg7[%get3A] {strides = array<i32>} : memref<2048xi32, #tpu.memory_space<vmem>>, vector<16xi32>,
      %add3A_63 = arith.addi %get3A_62, %broadcast_in_dim3A_41 : vector<16xi32>
      %gather3A = tpu.vector_load_idx %arg6[%add3A_63] : memref<32768xf32, #tpu.memory_space<vmem>>[vector<16xi32>], vector<16xf32>,
      %add3A_64 = arith.addi %get3A_62, %broadcast_in_dim3A_43 : vector<16xi32>
      %gather3A_65 = tpu.vector_load_idx %arg6[%add3A_64] : memref<32768xf32, #tpu.memory_space<vmem>>[vector<16xi32>], vector<16xf32>,
      %add3A_66 = arith.addi %get3A_62, %broadcast_in_dim3A_45 : vector<16xi32>
      %gather3A_67 = tpu.vector_load_idx %arg6[%add3A_66] : memref<32768xf32, #tpu.memory_space<vmem>>[vector<16xi32>], vector<16xf32>,
      %add3A_68 = arith.addi %get3A_62, %broadcast_in_dim3A_47 : vector<16xi32>
      %gather3A_69 = tpu.vector_load_idx %arg6[%add3A_68] : memref<32768xf32, #tpu.memory_space<vmem>>[vector<16xi32>], vector<16xf32>,
      %add3A_70 = arith.addi %get3A_62, %broadcast_in_dim3A_49 : vector<16xi32>
      %gather3A_71 = tpu.vector_load_idx %arg6[%add3A_70] : memref<32768xf32, #tpu.memory_space<vmem>>[vector<16xi32>], vector<16xf32>,
      %lt3A = arith.cmpf olt, %gather3A, %broadcast_in_dim3A_34 : vector<16xf32>
      %gt3A = arith.cmpf ogt, %gather3A_65, %broadcast_in_dim3A_35 : vector<16xf32>
      %and3A_72 = arith.andi %lt3A, %gt3A : vector<16xi1>
      %lt3A_73 = arith.cmpf olt, %gather3A_67, %broadcast_in_dim3A_36 : vector<16xf32>
      %and3A_74 = arith.andi %and3A_72, %lt3A_73 : vector<16xi1>
      %gt3A_75 = arith.cmpf ogt, %gather3A_69, %broadcast_in_dim3A_37 : vector<16xf32>
      %and3A_76 = arith.andi %and3A_74, %gt3A_75 : vector<16xi1>
      %gt3A_77 = arith.cmpf ogt, %gather3A_71, %broadcast_in_dim3A_39 : vector<16xf32>
      %and3A_78 = arith.andi %and3A_76, %gt3A_77 : vector<16xi1>
      %select_n3A_79 = arith.select %and3A_78, %broadcast_in_dim3A_29, %broadcast_in_dim3A_31 : vector<16xi1>, vector<16xi32>
      %broadcast_in_dim3A_80 = arith.constant true
      %broadcast_in_dim3A_81 = vector.broadcast %broadcast_in_dim3A_80 : i1 to vector<16xi1>
      %masked_cumsum3A = tpu.scan <sum>, %select_n3A_79 masked %broadcast_in_dim3A_81 : vector<16xi32>, vector<16xi1> -> vector<16xi32>
      %broadcast_in_dim3A_82 = vector.broadcast %scan3A_59 : i32 to vector<16xi32>
      %add3A_83 = arith.addi %broadcast_in_dim3A_82, %masked_cumsum3A : vector<16xi32>
      %sub3A_84 = arith.subi %add3A_83, %select_n3A_79 : vector<16xi32>
      %select_n3A_85 = arith.select %and3A_78, %sub3A_84, %broadcast_in_dim3A_33 : vector<16xi1>, vector<16xi32>
      tpu.vector_store_idx %arg8[%select_n3A_85], %get3A_62 : memref<2080xi32, #tpu.memory_space<vmem>>[vector<16xi32>], vector<16xi32>,
      %reduce_sum3A = arith.constant true
      %reduce_sum3A_86 = vector.broadcast %reduce_sum3A : i1 to vector<16xi1>
      %reduce_sum3A_87 = tpu.scan <sum>, %select_n3A_79 masked %reduce_sum3A_86 : vector<16xi32>, vector<16xi1> -> vector<16xi32>
      %reduce_sum3A_88 = vector.extract %reduce_sum3A_87[15] : i32 from vector<16xi32>
      %add3A_89 = arith.addi %scan3A_59, %reduce_sum3A_88 : i32
      scf.yield %add3A_89 : i32
    }
    %scan3A_55 = arith.constant 128 : i32
    %broadcast_in_dim3A_56 = vector.broadcast %scan3A_54 : i32 to vector<16xi32>
    %swap3A = arith.constant 0 : index
    %swap3A_57 = tpu.vector_load %arg9[%swap3A] {strides = array<i32>} : memref<16xi32, #tpu.memory_space<vmem>>, vector<16xi32>,
    tpu.vector_store %arg9[%swap3A], %broadcast_in_dim3A_56 {strides = array<i32>} : memref<16xi32, #tpu.memory_space<vmem>>, vector<16xi32>,
    "tpu.region"() ({
      %run_scoped3A = tpu.sem_alloc : memref<!tpu.dma_semaphore, #tpu.memory_space<semaphore_mem>>
      %dma_start3A = arith.constant 0 : i32
      %dma_start3A_58 = tpu.memref_slice %arg8[%dma_start3A] : memref<2080xi32, #tpu.memory_space<vmem>> -> memref<2048xi32, #tpu.memory_space<vmem>>
      %dma_start3A_59 = arith.constant 0 : i32
      %dma_start3A_60 = tpu.memref_slice %arg4[%add3A, %dma_start3A_59] : memref<32x2048xi32, #tpu.memory_space<hbm>> -> memref<1x2048xi32, #tpu.memory_space<hbm>>
      %dma_start3A_61 = tpu.memref_squeeze %dma_start3A_60 : memref<1x2048xi32, #tpu.memory_space<hbm>> -> memref<2048xi32, #tpu.memory_space<hbm>>
      %dma_start3A_62 = arith.constant 0 : i32
      %dma_start3A_63 = tpu.memref_slice %arg4[%add3A, %dma_start3A_62] : memref<32x2048xi32, #tpu.memory_space<hbm>> -> memref<1x2048xi32, #tpu.memory_space<hbm>>
      %dma_start3A_64 = tpu.memref_squeeze %dma_start3A_63 : memref<1x2048xi32, #tpu.memory_space<hbm>> -> memref<2048xi32, #tpu.memory_space<hbm>>
      %dma_start3A_65 = arith.constant 0 : i32
      %dma_start3A_66 = tpu.memref_slice %arg8[%dma_start3A_65] : memref<2080xi32, #tpu.memory_space<vmem>> -> memref<2048xi32, #tpu.memory_space<vmem>>
      tpu.enqueue_dma source(%dma_start3A_66 : memref<2048xi32, #tpu.memory_space<vmem>>) target(%dma_start3A_64 : memref<2048xi32, #tpu.memory_space<hbm>>) target_semaphore(%run_scoped3A : memref<!tpu.dma_semaphore, #tpu.memory_space<semaphore_mem>>)
      %dma_wait3A = arith.constant 0 : i32
      %dma_wait3A_67 = tpu.memref_slice %arg8[%dma_wait3A] : memref<2080xi32, #tpu.memory_space<vmem>> -> memref<2048xi32, #tpu.memory_space<vmem>>
      %dma_wait3A_68 = arith.constant 0 : i32
      %dma_wait3A_69 = tpu.memref_slice %arg4[%add3A, %dma_wait3A_68] : memref<32x2048xi32, #tpu.memory_space<hbm>> -> memref<1x2048xi32, #tpu.memory_space<hbm>>
      %dma_wait3A_70 = tpu.memref_squeeze %dma_wait3A_69 : memref<1x2048xi32, #tpu.memory_space<hbm>> -> memref<2048xi32, #tpu.memory_space<hbm>>
      %dma_wait3A_71 = arith.constant 0 : i32
      %dma_wait3A_72 = tpu.memref_slice %arg4[%add3A, %dma_wait3A_71] : memref<32x2048xi32, #tpu.memory_space<hbm>> -> memref<1x2048xi32, #tpu.memory_space<hbm>>
      %dma_wait3A_73 = tpu.memref_squeeze %dma_wait3A_72 : memref<1x2048xi32, #tpu.memory_space<hbm>> -> memref<2048xi32, #tpu.memory_space<hbm>>
      %dma_wait3A_74 = arith.constant 0 : i32
      %dma_wait3A_75 = tpu.memref_slice %arg8[%dma_wait3A_74] : memref<2080xi32, #tpu.memory_space<vmem>> -> memref<2048xi32, #tpu.memory_space<vmem>>
      tpu.wait_dma2 semaphore(%run_scoped3A : memref<!tpu.dma_semaphore, #tpu.memory_space<semaphore_mem>>) src(%dma_wait3A_75 : memref<2048xi32, #tpu.memory_space<vmem>>) dst(%dma_wait3A_73 : memref<2048xi32, #tpu.memory_space<hbm>>)
      tpu.yield
    }) : () -> ()
    "tpu.region"() ({
      %run_scoped3A = tpu.sem_alloc : memref<!tpu.dma_semaphore, #tpu.memory_space<semaphore_mem>>
      %dma_start3A = arith.constant 0 : i32
      %dma_start3A_58 = tpu.memref_slice %arg5[%add3A, %dma_start3A] : memref<32x128xi32, #tpu.memory_space<hbm>> -> memref<1x16xi32, #tpu.memory_space<hbm>>
      %dma_start3A_59 = tpu.memref_squeeze %dma_start3A_58 : memref<1x16xi32, #tpu.memory_space<hbm>> -> memref<16xi32, #tpu.memory_space<hbm>>
      %dma_start3A_60 = arith.constant 0 : i32
      %dma_start3A_61 = tpu.memref_slice %arg5[%add3A, %dma_start3A_60] : memref<32x128xi32, #tpu.memory_space<hbm>> -> memref<1x16xi32, #tpu.memory_space<hbm>>
      %dma_start3A_62 = tpu.memref_squeeze %dma_start3A_61 : memref<1x16xi32, #tpu.memory_space<hbm>> -> memref<16xi32, #tpu.memory_space<hbm>>
      tpu.enqueue_dma source(%arg9 : memref<16xi32, #tpu.memory_space<vmem>>) target(%dma_start3A_62 : memref<16xi32, #tpu.memory_space<hbm>>) target_semaphore(%run_scoped3A : memref<!tpu.dma_semaphore, #tpu.memory_space<semaphore_mem>>)
      %dma_wait3A = arith.constant 0 : i32
      %dma_wait3A_63 = tpu.memref_slice %arg5[%add3A, %dma_wait3A] : memref<32x128xi32, #tpu.memory_space<hbm>> -> memref<1x16xi32, #tpu.memory_space<hbm>>
      %dma_wait3A_64 = tpu.memref_squeeze %dma_wait3A_63 : memref<1x16xi32, #tpu.memory_space<hbm>> -> memref<16xi32, #tpu.memory_space<hbm>>
      %dma_wait3A_65 = arith.constant 0 : i32
      %dma_wait3A_66 = tpu.memref_slice %arg5[%add3A, %dma_wait3A_65] : memref<32x128xi32, #tpu.memory_space<hbm>> -> memref<1x16xi32, #tpu.memory_space<hbm>>
      %dma_wait3A_67 = tpu.memref_squeeze %dma_wait3A_66 : memref<1x16xi32, #tpu.memory_space<hbm>> -> memref<16xi32, #tpu.memory_space<hbm>>
      tpu.wait_dma2 semaphore(%run_scoped3A : memref<!tpu.dma_semaphore, #tpu.memory_space<semaphore_mem>>) src(%arg9 : memref<16xi32, #tpu.memory_space<vmem>>) dst(%dma_wait3A_67 : memref<16xi32, #tpu.memory_space<hbm>>)
      tpu.yield
    }) : () -> ()
    return
  }
}

module attributes {stable_mosaic.version = 14 : i64} {
  func.func @_composite_kernel(%arg0: i32, %arg1: i32, %arg2: memref<16x2048xf32, #tpu.memory_space<smem>>, %arg3: memref<2048xi32, #tpu.memory_space<smem>>, %arg4: memref<128xi32, #tpu.memory_space<smem>>, %arg5: memref<3x64x128xf32, #tpu.memory_space<vmem>>) attributes {dimension_semantics = [#tpu.dimension_semantics<arbitrary>, #tpu.dimension_semantics<arbitrary>], iteration_bounds = array<i64: 8, 4>, scalar_prefetch = 0 : i64, scratch_operands = 0 : i64, tpu.core_type = #tpu.core_type<tc>, window_params = [{transform_indices = @transform_0, window_bounds = array<i64: 16, 2048>}, {transform_indices = @transform_1, window_bounds = array<i64: 2048>}, {transform_indices = @transform_2, window_bounds = array<i64: 128>}, {transform_indices = @transform_3, window_bounds = array<i64: 3, 64, 128>}]} {
    %mul3A = arith.constant 64 : i32
    %mul3A_0 = arith.muli %arg0, %mul3A : i32
    %convert_element_type3A = arith.sitofp %mul3A_0 : i32 to f32
    %mul3A_1 = arith.constant 128 : i32
    %mul3A_2 = arith.muli %arg1, %mul3A_1 : i32
    %convert_element_type3A_3 = arith.sitofp %mul3A_2 : i32 to f32
    %iota3A = tpu.iota {dimensions = array<i32: 0>} : vector<64x128xi32>
    %convert_element_type3A_4 = arith.sitofp %iota3A : vector<64x128xi32> to vector<64x128xf32>
    %add3A = vector.broadcast %convert_element_type3A : f32 to vector<64x128xf32>
    %add3A_5 = arith.addf %convert_element_type3A_4, %add3A : vector<64x128xf32>
    %iota3A_6 = tpu.iota {dimensions = array<i32: 1>} : vector<64x128xi32>
    %convert_element_type3A_7 = arith.sitofp %iota3A_6 : vector<64x128xi32> to vector<64x128xf32>
    %add3A_8 = vector.broadcast %convert_element_type3A_3 : f32 to vector<64x128xf32>
    %add3A_9 = arith.addf %convert_element_type3A_7, %add3A_8 : vector<64x128xf32>
    %broadcast_in_dim3A = arith.constant 0.000000e+00 : f32
    %broadcast_in_dim3A_10 = vector.broadcast %broadcast_in_dim3A : f32 to vector<3x64x128xf32>
    %swap3A = arith.constant 0 : index
    %swap3A_11 = arith.constant 0 : index
    %swap3A_12 = arith.constant 0 : index
    %swap3A_13 = vector.load %arg5[%swap3A, %swap3A_11, %swap3A_12] : memref<3x64x128xf32, #tpu.memory_space<vmem>>, vector<3x64x128xf32>
    tpu.vector_store %arg5[%swap3A, %swap3A_11, %swap3A_12], %broadcast_in_dim3A_10 {strides = array<i32>} : memref<3x64x128xf32, #tpu.memory_space<vmem>>, vector<3x64x128xf32>,
    %get3A = arith.constant 0 : index
    %get3A_14 = memref.load %arg4[%get3A] : memref<128xi32, #tpu.memory_space<smem>>
    %while3A = arith.constant 0 : i32
    %while3A_15 = arith.constant 0 : i32
    %while3A_16 = arith.subi %get3A_14, %while3A_15 : i32
    %while3A_17 = arith.addi %while3A_15, %while3A_16 : i32
    %while3A_18 = arith.constant 1 : i32
    %while3A_19 = arith.divsi %while3A_16, %while3A_18 : i32
    %while3A_20 = arith.muli %while3A_19, %while3A_18 : i32
    %while3A_21 = arith.addi %while3A_15, %while3A_20 : i32
    %while3A_22 = arith.constant 1 : i32
    scf.for %while3A_24 = %while3A_15 to %while3A_21 step %while3A_22  : i32 {
      %get3A_25 = arith.index_cast %while3A_24 : i32 to index
      %get3A_26 = memref.load %arg3[%get3A_25] : memref<2048xi32, #tpu.memory_space<smem>>
      %get3A_27 = arith.constant 0 : index
      %get3A_28 = arith.index_cast %get3A_26 : i32 to index
      %get3A_29 = memref.load %arg2[%get3A_27, %get3A_28] : memref<16x2048xf32, #tpu.memory_space<smem>>
      %get3A_30 = arith.constant 1 : index
      %get3A_31 = arith.index_cast %get3A_26 : i32 to index
      %get3A_32 = memref.load %arg2[%get3A_30, %get3A_31] : memref<16x2048xf32, #tpu.memory_space<smem>>
      %get3A_33 = arith.constant 2 : index
      %get3A_34 = arith.index_cast %get3A_26 : i32 to index
      %get3A_35 = memref.load %arg2[%get3A_33, %get3A_34] : memref<16x2048xf32, #tpu.memory_space<smem>>
      %get3A_36 = arith.constant 3 : index
      %get3A_37 = arith.index_cast %get3A_26 : i32 to index
      %get3A_38 = memref.load %arg2[%get3A_36, %get3A_37] : memref<16x2048xf32, #tpu.memory_space<smem>>
      %get3A_39 = arith.constant 4 : index
      %get3A_40 = arith.index_cast %get3A_26 : i32 to index
      %get3A_41 = memref.load %arg2[%get3A_39, %get3A_40] : memref<16x2048xf32, #tpu.memory_space<smem>>
      %get3A_42 = arith.constant 5 : index
      %get3A_43 = arith.index_cast %get3A_26 : i32 to index
      %get3A_44 = memref.load %arg2[%get3A_42, %get3A_43] : memref<16x2048xf32, #tpu.memory_space<smem>>
      %get3A_45 = arith.constant 6 : index
      %get3A_46 = arith.index_cast %get3A_26 : i32 to index
      %get3A_47 = memref.load %arg2[%get3A_45, %get3A_46] : memref<16x2048xf32, #tpu.memory_space<smem>>
      %get3A_48 = arith.constant 7 : index
      %get3A_49 = arith.index_cast %get3A_26 : i32 to index
      %get3A_50 = memref.load %arg2[%get3A_48, %get3A_49] : memref<16x2048xf32, #tpu.memory_space<smem>>
      %get3A_51 = arith.constant 8 : index
      %get3A_52 = arith.index_cast %get3A_26 : i32 to index
      %get3A_53 = memref.load %arg2[%get3A_51, %get3A_52] : memref<16x2048xf32, #tpu.memory_space<smem>>
      %get3A_54 = arith.constant 9 : index
      %get3A_55 = arith.index_cast %get3A_26 : i32 to index
      %get3A_56 = memref.load %arg2[%get3A_54, %get3A_55] : memref<16x2048xf32, #tpu.memory_space<smem>>
      %get3A_57 = arith.constant 10 : index
      %get3A_58 = arith.index_cast %get3A_26 : i32 to index
      %get3A_59 = memref.load %arg2[%get3A_57, %get3A_58] : memref<16x2048xf32, #tpu.memory_space<smem>>
      %get3A_60 = arith.constant 11 : index
      %get3A_61 = arith.index_cast %get3A_26 : i32 to index
      %get3A_62 = memref.load %arg2[%get3A_60, %get3A_61] : memref<16x2048xf32, #tpu.memory_space<smem>>
      %get3A_63 = arith.constant 12 : index
      %get3A_64 = arith.index_cast %get3A_26 : i32 to index
      %get3A_65 = memref.load %arg2[%get3A_63, %get3A_64] : memref<16x2048xf32, #tpu.memory_space<smem>>
      %sub3A = vector.broadcast %get3A_29 : f32 to vector<64x128xf32>
      %sub3A_66 = arith.subf %add3A_9, %sub3A : vector<64x128xf32>
      %sub3A_67 = vector.broadcast %get3A_32 : f32 to vector<64x128xf32>
      %sub3A_68 = arith.subf %add3A_5, %sub3A_67 : vector<64x128xf32>
      %mul3A_69 = vector.broadcast %get3A_35 : f32 to vector<64x128xf32>
      %mul3A_70 = arith.mulf %mul3A_69, %sub3A_66 : vector<64x128xf32>
      %mul3A_71 = arith.mulf %mul3A_70, %sub3A_66 : vector<64x128xf32>
      %mul3A_72 = vector.broadcast %get3A_38 : f32 to vector<64x128xf32>
      %mul3A_73 = arith.mulf %mul3A_72, %sub3A_66 : vector<64x128xf32>
      %mul3A_74 = arith.mulf %mul3A_73, %sub3A_68 : vector<64x128xf32>
      %add3A_75 = arith.addf %mul3A_71, %mul3A_74 : vector<64x128xf32>
      %mul3A_76 = vector.broadcast %get3A_41 : f32 to vector<64x128xf32>
      %mul3A_77 = arith.mulf %mul3A_76, %sub3A_68 : vector<64x128xf32>
      %mul3A_78 = arith.mulf %mul3A_77, %sub3A_68 : vector<64x128xf32>
      %add3A_79 = arith.addf %add3A_75, %mul3A_78 : vector<64x128xf32>
      %exp3A = math.exp %add3A_79 : vector<64x128xf32>
      %mul3A_80 = vector.broadcast %get3A_44 : f32 to vector<64x128xf32>
      %mul3A_81 = arith.mulf %exp3A, %mul3A_80 : vector<64x128xf32>
      %ge3A = vector.broadcast %get3A_56 : f32 to vector<64x128xf32>
      %ge3A_82 = arith.cmpf oge, %add3A_9, %ge3A : vector<64x128xf32>
      %lt3A = vector.broadcast %get3A_59 : f32 to vector<64x128xf32>
      %lt3A_83 = arith.cmpf olt, %add3A_9, %lt3A : vector<64x128xf32>
      %and3A = arith.andi %ge3A_82, %lt3A_83 : vector<64x128xi1>
      %ge3A_84 = vector.broadcast %get3A_62 : f32 to vector<64x128xf32>
      %ge3A_85 = arith.cmpf oge, %add3A_5, %ge3A_84 : vector<64x128xf32>
      %and3A_86 = arith.andi %and3A, %ge3A_85 : vector<64x128xi1>
      %lt3A_87 = vector.broadcast %get3A_65 : f32 to vector<64x128xf32>
      %lt3A_88 = arith.cmpf olt, %add3A_5, %lt3A_87 : vector<64x128xf32>
      %and3A_89 = arith.andi %and3A_86, %lt3A_88 : vector<64x128xi1>
      %jit3A = arith.constant 0.000000e+00 : f32
      %broadcast_in_dim3A_90 = vector.broadcast %jit3A : f32 to vector<64x128xf32>
      %select_n3A = arith.select %and3A_89, %mul3A_81, %broadcast_in_dim3A_90 : vector<64x128xi1>, vector<64x128xf32>
      %sub3A_91 = arith.constant 1.000000e+00 : f32
      %sub3A_92 = vector.broadcast %sub3A_91 : f32 to vector<64x128xf32>
      %sub3A_93 = arith.subf %sub3A_92, %select_n3A : vector<64x128xf32>
      %mul3A_94 = vector.broadcast %get3A_47 : f32 to vector<64x128xf32>
      %mul3A_95 = arith.mulf %mul3A_94, %select_n3A : vector<64x128xf32>
      %get3A_96 = arith.constant 0 : index
      %get3A_97 = arith.constant 0 : index
      %get3A_98 = arith.constant 0 : index
      %get3A_99 = vector.load %arg5[%get3A_96, %get3A_97, %get3A_98] : memref<3x64x128xf32, #tpu.memory_space<vmem>>, vector<1x64x128xf32>
      %get3A_100 = vector.shape_cast %get3A_99 : vector<1x64x128xf32> to vector<64x128xf32>
      %mul3A_101 = arith.mulf %get3A_100, %sub3A_93 : vector<64x128xf32>
      %add3A_102 = arith.addf %mul3A_95, %mul3A_101 : vector<64x128xf32>
      %swap3A_103 = arith.constant 0 : index
      %swap3A_104 = arith.constant 0 : index
      %swap3A_105 = arith.constant 0 : index
      %swap3A_106 = vector.load %arg5[%swap3A_103, %swap3A_104, %swap3A_105] : memref<3x64x128xf32, #tpu.memory_space<vmem>>, vector<1x64x128xf32>
      %swap3A_107 = vector.shape_cast %swap3A_106 : vector<1x64x128xf32> to vector<64x128xf32>
      %swap3A_108 = vector.shape_cast %add3A_102 : vector<64x128xf32> to vector<1x64x128xf32>
      tpu.vector_store %arg5[%swap3A_103, %swap3A_104, %swap3A_105], %swap3A_108 {strides = array<i32>} : memref<3x64x128xf32, #tpu.memory_space<vmem>>, vector<1x64x128xf32>,
      %mul3A_109 = vector.broadcast %get3A_50 : f32 to vector<64x128xf32>
      %mul3A_110 = arith.mulf %mul3A_109, %select_n3A : vector<64x128xf32>
      %get3A_111 = arith.constant 1 : index
      %get3A_112 = arith.constant 0 : index
      %get3A_113 = arith.constant 0 : index
      %get3A_114 = vector.load %arg5[%get3A_111, %get3A_112, %get3A_113] : memref<3x64x128xf32, #tpu.memory_space<vmem>>, vector<1x64x128xf32>
      %get3A_115 = vector.shape_cast %get3A_114 : vector<1x64x128xf32> to vector<64x128xf32>
      %mul3A_116 = arith.mulf %get3A_115, %sub3A_93 : vector<64x128xf32>
      %add3A_117 = arith.addf %mul3A_110, %mul3A_116 : vector<64x128xf32>
      %swap3A_118 = arith.constant 1 : index
      %swap3A_119 = arith.constant 0 : index
      %swap3A_120 = arith.constant 0 : index
      %swap3A_121 = vector.load %arg5[%swap3A_118, %swap3A_119, %swap3A_120] : memref<3x64x128xf32, #tpu.memory_space<vmem>>, vector<1x64x128xf32>
      %swap3A_122 = vector.shape_cast %swap3A_121 : vector<1x64x128xf32> to vector<64x128xf32>
      %swap3A_123 = vector.shape_cast %add3A_117 : vector<64x128xf32> to vector<1x64x128xf32>
      tpu.vector_store %arg5[%swap3A_118, %swap3A_119, %swap3A_120], %swap3A_123 {strides = array<i32>} : memref<3x64x128xf32, #tpu.memory_space<vmem>>, vector<1x64x128xf32>,
      %mul3A_124 = vector.broadcast %get3A_53 : f32 to vector<64x128xf32>
      %mul3A_125 = arith.mulf %mul3A_124, %select_n3A : vector<64x128xf32>
      %get3A_126 = arith.constant 2 : index
      %get3A_127 = arith.constant 0 : index
      %get3A_128 = arith.constant 0 : index
      %get3A_129 = vector.load %arg5[%get3A_126, %get3A_127, %get3A_128] : memref<3x64x128xf32, #tpu.memory_space<vmem>>, vector<1x64x128xf32>
      %get3A_130 = vector.shape_cast %get3A_129 : vector<1x64x128xf32> to vector<64x128xf32>
      %mul3A_131 = arith.mulf %get3A_130, %sub3A_93 : vector<64x128xf32>
      %add3A_132 = arith.addf %mul3A_125, %mul3A_131 : vector<64x128xf32>
      %swap3A_133 = arith.constant 2 : index
      %swap3A_134 = arith.constant 0 : index
      %swap3A_135 = arith.constant 0 : index
      %swap3A_136 = vector.load %arg5[%swap3A_133, %swap3A_134, %swap3A_135] : memref<3x64x128xf32, #tpu.memory_space<vmem>>, vector<1x64x128xf32>
      %swap3A_137 = vector.shape_cast %swap3A_136 : vector<1x64x128xf32> to vector<64x128xf32>
      %swap3A_138 = vector.shape_cast %add3A_132 : vector<64x128xf32> to vector<1x64x128xf32>
      tpu.vector_store %arg5[%swap3A_133, %swap3A_134, %swap3A_135], %swap3A_138 {strides = array<i32>} : memref<3x64x128xf32, #tpu.memory_space<vmem>>, vector<1x64x128xf32>,
    }
    %while3A_23 = arith.constant 1 : i32
    scf.for %while3A_24 = %while3A_21 to %while3A_17 step %while3A_23  : i32 {
      %get3A_25 = arith.index_cast %while3A_24 : i32 to index
      %get3A_26 = memref.load %arg3[%get3A_25] : memref<2048xi32, #tpu.memory_space<smem>>
      %get3A_27 = arith.constant 0 : index
      %get3A_28 = arith.index_cast %get3A_26 : i32 to index
      %get3A_29 = memref.load %arg2[%get3A_27, %get3A_28] : memref<16x2048xf32, #tpu.memory_space<smem>>
      %get3A_30 = arith.constant 1 : index
      %get3A_31 = arith.index_cast %get3A_26 : i32 to index
      %get3A_32 = memref.load %arg2[%get3A_30, %get3A_31] : memref<16x2048xf32, #tpu.memory_space<smem>>
      %get3A_33 = arith.constant 2 : index
      %get3A_34 = arith.index_cast %get3A_26 : i32 to index
      %get3A_35 = memref.load %arg2[%get3A_33, %get3A_34] : memref<16x2048xf32, #tpu.memory_space<smem>>
      %get3A_36 = arith.constant 3 : index
      %get3A_37 = arith.index_cast %get3A_26 : i32 to index
      %get3A_38 = memref.load %arg2[%get3A_36, %get3A_37] : memref<16x2048xf32, #tpu.memory_space<smem>>
      %get3A_39 = arith.constant 4 : index
      %get3A_40 = arith.index_cast %get3A_26 : i32 to index
      %get3A_41 = memref.load %arg2[%get3A_39, %get3A_40] : memref<16x2048xf32, #tpu.memory_space<smem>>
      %get3A_42 = arith.constant 5 : index
      %get3A_43 = arith.index_cast %get3A_26 : i32 to index
      %get3A_44 = memref.load %arg2[%get3A_42, %get3A_43] : memref<16x2048xf32, #tpu.memory_space<smem>>
      %get3A_45 = arith.constant 6 : index
      %get3A_46 = arith.index_cast %get3A_26 : i32 to index
      %get3A_47 = memref.load %arg2[%get3A_45, %get3A_46] : memref<16x2048xf32, #tpu.memory_space<smem>>
      %get3A_48 = arith.constant 7 : index
      %get3A_49 = arith.index_cast %get3A_26 : i32 to index
      %get3A_50 = memref.load %arg2[%get3A_48, %get3A_49] : memref<16x2048xf32, #tpu.memory_space<smem>>
      %get3A_51 = arith.constant 8 : index
      %get3A_52 = arith.index_cast %get3A_26 : i32 to index
      %get3A_53 = memref.load %arg2[%get3A_51, %get3A_52] : memref<16x2048xf32, #tpu.memory_space<smem>>
      %get3A_54 = arith.constant 9 : index
      %get3A_55 = arith.index_cast %get3A_26 : i32 to index
      %get3A_56 = memref.load %arg2[%get3A_54, %get3A_55] : memref<16x2048xf32, #tpu.memory_space<smem>>
      %get3A_57 = arith.constant 10 : index
      %get3A_58 = arith.index_cast %get3A_26 : i32 to index
      %get3A_59 = memref.load %arg2[%get3A_57, %get3A_58] : memref<16x2048xf32, #tpu.memory_space<smem>>
      %get3A_60 = arith.constant 11 : index
      %get3A_61 = arith.index_cast %get3A_26 : i32 to index
      %get3A_62 = memref.load %arg2[%get3A_60, %get3A_61] : memref<16x2048xf32, #tpu.memory_space<smem>>
      %get3A_63 = arith.constant 12 : index
      %get3A_64 = arith.index_cast %get3A_26 : i32 to index
      %get3A_65 = memref.load %arg2[%get3A_63, %get3A_64] : memref<16x2048xf32, #tpu.memory_space<smem>>
      %sub3A = vector.broadcast %get3A_29 : f32 to vector<64x128xf32>
      %sub3A_66 = arith.subf %add3A_9, %sub3A : vector<64x128xf32>
      %sub3A_67 = vector.broadcast %get3A_32 : f32 to vector<64x128xf32>
      %sub3A_68 = arith.subf %add3A_5, %sub3A_67 : vector<64x128xf32>
      %mul3A_69 = vector.broadcast %get3A_35 : f32 to vector<64x128xf32>
      %mul3A_70 = arith.mulf %mul3A_69, %sub3A_66 : vector<64x128xf32>
      %mul3A_71 = arith.mulf %mul3A_70, %sub3A_66 : vector<64x128xf32>
      %mul3A_72 = vector.broadcast %get3A_38 : f32 to vector<64x128xf32>
      %mul3A_73 = arith.mulf %mul3A_72, %sub3A_66 : vector<64x128xf32>
      %mul3A_74 = arith.mulf %mul3A_73, %sub3A_68 : vector<64x128xf32>
      %add3A_75 = arith.addf %mul3A_71, %mul3A_74 : vector<64x128xf32>
      %mul3A_76 = vector.broadcast %get3A_41 : f32 to vector<64x128xf32>
      %mul3A_77 = arith.mulf %mul3A_76, %sub3A_68 : vector<64x128xf32>
      %mul3A_78 = arith.mulf %mul3A_77, %sub3A_68 : vector<64x128xf32>
      %add3A_79 = arith.addf %add3A_75, %mul3A_78 : vector<64x128xf32>
      %exp3A = math.exp %add3A_79 : vector<64x128xf32>
      %mul3A_80 = vector.broadcast %get3A_44 : f32 to vector<64x128xf32>
      %mul3A_81 = arith.mulf %exp3A, %mul3A_80 : vector<64x128xf32>
      %ge3A = vector.broadcast %get3A_56 : f32 to vector<64x128xf32>
      %ge3A_82 = arith.cmpf oge, %add3A_9, %ge3A : vector<64x128xf32>
      %lt3A = vector.broadcast %get3A_59 : f32 to vector<64x128xf32>
      %lt3A_83 = arith.cmpf olt, %add3A_9, %lt3A : vector<64x128xf32>
      %and3A = arith.andi %ge3A_82, %lt3A_83 : vector<64x128xi1>
      %ge3A_84 = vector.broadcast %get3A_62 : f32 to vector<64x128xf32>
      %ge3A_85 = arith.cmpf oge, %add3A_5, %ge3A_84 : vector<64x128xf32>
      %and3A_86 = arith.andi %and3A, %ge3A_85 : vector<64x128xi1>
      %lt3A_87 = vector.broadcast %get3A_65 : f32 to vector<64x128xf32>
      %lt3A_88 = arith.cmpf olt, %add3A_5, %lt3A_87 : vector<64x128xf32>
      %and3A_89 = arith.andi %and3A_86, %lt3A_88 : vector<64x128xi1>
      %jit3A = arith.constant 0.000000e+00 : f32
      %broadcast_in_dim3A_90 = vector.broadcast %jit3A : f32 to vector<64x128xf32>
      %select_n3A = arith.select %and3A_89, %mul3A_81, %broadcast_in_dim3A_90 : vector<64x128xi1>, vector<64x128xf32>
      %sub3A_91 = arith.constant 1.000000e+00 : f32
      %sub3A_92 = vector.broadcast %sub3A_91 : f32 to vector<64x128xf32>
      %sub3A_93 = arith.subf %sub3A_92, %select_n3A : vector<64x128xf32>
      %mul3A_94 = vector.broadcast %get3A_47 : f32 to vector<64x128xf32>
      %mul3A_95 = arith.mulf %mul3A_94, %select_n3A : vector<64x128xf32>
      %get3A_96 = arith.constant 0 : index
      %get3A_97 = arith.constant 0 : index
      %get3A_98 = arith.constant 0 : index
      %get3A_99 = vector.load %arg5[%get3A_96, %get3A_97, %get3A_98] : memref<3x64x128xf32, #tpu.memory_space<vmem>>, vector<1x64x128xf32>
      %get3A_100 = vector.shape_cast %get3A_99 : vector<1x64x128xf32> to vector<64x128xf32>
      %mul3A_101 = arith.mulf %get3A_100, %sub3A_93 : vector<64x128xf32>
      %add3A_102 = arith.addf %mul3A_95, %mul3A_101 : vector<64x128xf32>
      %swap3A_103 = arith.constant 0 : index
      %swap3A_104 = arith.constant 0 : index
      %swap3A_105 = arith.constant 0 : index
      %swap3A_106 = vector.load %arg5[%swap3A_103, %swap3A_104, %swap3A_105] : memref<3x64x128xf32, #tpu.memory_space<vmem>>, vector<1x64x128xf32>
      %swap3A_107 = vector.shape_cast %swap3A_106 : vector<1x64x128xf32> to vector<64x128xf32>
      %swap3A_108 = vector.shape_cast %add3A_102 : vector<64x128xf32> to vector<1x64x128xf32>
      tpu.vector_store %arg5[%swap3A_103, %swap3A_104, %swap3A_105], %swap3A_108 {strides = array<i32>} : memref<3x64x128xf32, #tpu.memory_space<vmem>>, vector<1x64x128xf32>,
      %mul3A_109 = vector.broadcast %get3A_50 : f32 to vector<64x128xf32>
      %mul3A_110 = arith.mulf %mul3A_109, %select_n3A : vector<64x128xf32>
      %get3A_111 = arith.constant 1 : index
      %get3A_112 = arith.constant 0 : index
      %get3A_113 = arith.constant 0 : index
      %get3A_114 = vector.load %arg5[%get3A_111, %get3A_112, %get3A_113] : memref<3x64x128xf32, #tpu.memory_space<vmem>>, vector<1x64x128xf32>
      %get3A_115 = vector.shape_cast %get3A_114 : vector<1x64x128xf32> to vector<64x128xf32>
      %mul3A_116 = arith.mulf %get3A_115, %sub3A_93 : vector<64x128xf32>
      %add3A_117 = arith.addf %mul3A_110, %mul3A_116 : vector<64x128xf32>
      %swap3A_118 = arith.constant 1 : index
      %swap3A_119 = arith.constant 0 : index
      %swap3A_120 = arith.constant 0 : index
      %swap3A_121 = vector.load %arg5[%swap3A_118, %swap3A_119, %swap3A_120] : memref<3x64x128xf32, #tpu.memory_space<vmem>>, vector<1x64x128xf32>
      %swap3A_122 = vector.shape_cast %swap3A_121 : vector<1x64x128xf32> to vector<64x128xf32>
      %swap3A_123 = vector.shape_cast %add3A_117 : vector<64x128xf32> to vector<1x64x128xf32>
      tpu.vector_store %arg5[%swap3A_118, %swap3A_119, %swap3A_120], %swap3A_123 {strides = array<i32>} : memref<3x64x128xf32, #tpu.memory_space<vmem>>, vector<1x64x128xf32>,
      %mul3A_124 = vector.broadcast %get3A_53 : f32 to vector<64x128xf32>
      %mul3A_125 = arith.mulf %mul3A_124, %select_n3A : vector<64x128xf32>
      %get3A_126 = arith.constant 2 : index
      %get3A_127 = arith.constant 0 : index
      %get3A_128 = arith.constant 0 : index
      %get3A_129 = vector.load %arg5[%get3A_126, %get3A_127, %get3A_128] : memref<3x64x128xf32, #tpu.memory_space<vmem>>, vector<1x64x128xf32>
      %get3A_130 = vector.shape_cast %get3A_129 : vector<1x64x128xf32> to vector<64x128xf32>
      %mul3A_131 = arith.mulf %get3A_130, %sub3A_93 : vector<64x128xf32>
      %add3A_132 = arith.addf %mul3A_125, %mul3A_131 : vector<64x128xf32>
      %swap3A_133 = arith.constant 2 : index
      %swap3A_134 = arith.constant 0 : index
      %swap3A_135 = arith.constant 0 : index
      %swap3A_136 = vector.load %arg5[%swap3A_133, %swap3A_134, %swap3A_135] : memref<3x64x128xf32, #tpu.memory_space<vmem>>, vector<1x64x128xf32>
      %swap3A_137 = vector.shape_cast %swap3A_136 : vector<1x64x128xf32> to vector<64x128xf32>
      %swap3A_138 = vector.shape_cast %add3A_132 : vector<64x128xf32> to vector<1x64x128xf32>
      tpu.vector_store %arg5[%swap3A_133, %swap3A_134, %swap3A_135], %swap3A_138 {strides = array<i32>} : memref<3x64x128xf32, #tpu.memory_space<vmem>>, vector<1x64x128xf32>,
    }
    return
  }
  func.func @transform_0(%arg0: i32, %arg1: i32) -> (i32, i32) {
    %c0_i32 = arith.constant 0 : i32
    %c0_i32_0 = arith.constant 0 : i32
    %c0_i32_1 = arith.constant 0 : i32
    return %c0_i32, %c0_i32_0 : i32, i32
  }
  func.func @transform_1(%arg0: i32, %arg1: i32) -> i32 {
    %mul3A = arith.constant 4 : i32
    %mul3A_0 = arith.muli %arg0, %mul3A : i32
    %add3A = arith.addi %mul3A_0, %arg1 : i32
    %c0_i32 = arith.constant 0 : i32
    return %add3A : i32
  }
  func.func @transform_2(%arg0: i32, %arg1: i32) -> i32 {
    %mul3A = arith.constant 4 : i32
    %mul3A_0 = arith.muli %arg0, %mul3A : i32
    %add3A = arith.addi %mul3A_0, %arg1 : i32
    %c0_i32 = arith.constant 0 : i32
    return %add3A : i32
  }
  func.func @transform_3(%arg0: i32, %arg1: i32) -> (i32, i32, i32) {
    %c0_i32 = arith.constant 0 : i32
    %c0_i32_0 = arith.constant 0 : i32
    return %c0_i32, %arg0, %arg1 : i32, i32, i32
  }
}

</mosaic_0001>

<sc_bundles>
// kernel: kernel.4.cloned.1.call-start
scs
__scs_entry_jumppad:
0x0: {  	(pc) =	sbr.rel $0x88, $3  }
0x1: {  	(tag) =	ssettag $0x0;
	lr =	simm.s32 $0x1  }
0x2: {  	[smem:$0x3F95] =	sst lr;
	_ =	strace $0xD0000000  }
0x3: {  	_ = 	snop  }
0x4: {  	_ = 	snop  }
0x5: {  	_ = 	snop  }
0x6: {  	_ = 	snop  }
0x7: {  	_ = 	snop  }
__scs_overlays_trampoline_lowered:
0x8: {  	[smem:$0x3FA4] =	sst s0  }
0x9: {  	[smem:$0x3FA5] =	sst s1  }
0xa: {  	[smem:$0x3FA6] =	sst s2  }
0xb: {  	[smem:$0x3FA7] =	sst s3  }
0xc: {  	[smem:$0x3FA8] =	sst s4  }
0xd: {  	[smem:$0x3FA9] =	sst s5  }
0xe: {  	[smem:$0x3FAA] =	sst s6  }
0xf: {  	[smem:$0x3FAB] =	sst s7  }
0x10: {  	[smem:$0x3FAC] =	sst s8  }
0x11: {  	[smem:$0x3FAD] =	sst s9;
	s0 =	simm.s32 @!p0 $0x0  }
0x12: {  	s1 =	sld [smem:$0x3F93];
	s0 =	simm.s32 @p0 $0x1  }
0x13: {  	[smem:$0x3FAE] =	sst s0;
	s0 =	simm.s32 @!p1 $0x0  }
0x14: {  	s2 =	sld [smem:$0x3F92];
	s0 =	simm.s32 @p1 $0x1  }
0x15: {  	[smem:$0x3FAF] =	sst s0;
	s0 =	simm.s32 @!p2 $0x0  }
0x16: {  	s3 =	sld [smem:$0x3FDB];
	s0 =	simm.s32 @p2 $0x1  }
0x17: {  	s4 =	simm.s32 $0x1BF5;
	[smem:$0x3FB1] =	sst s0  }
0x18: {  	s0 =	sld [smem:$0x3F94];
	_ =	swait.ge [sflag:s4], $0x0  }
0x19: {  	s7 =	sld [smem:$0x3F95]  }
0x1a: {  	s8 =	sadd.s32 $0xFFFFE003, lr  }
0x1b: {  	s9 =	sadd.s32 $0xFFFFFEF7, lr;
	s5 =	simm.s32 $0xFFFFFFFF;
	p2 =	slt.u32 s8, $0xFFFFF086  }
0x1c: {  	p1 =	slt.u32 s9, $0xF7A;
	s5 =	simm.s32 @!p2 $0x0  }
0x1d: {  	s5 =	simm.s32 @p1 $0x1;
	p0 =	seq.s32 s7, s2  }
0x1e: {  	s7 =	smul.u32 @!p0 $0xF7A, s2;
	p2 =	seq.s32 @!p0 s5, $0x0  }
0x1f: {  	s9 =	smul.u32 $0xF7A, s1;
	s8 =	simm.s32 @!p0 $0x1BF5;
	p2 =	por !p2, p0  }
0x20: {  	[sflag:s8] =	ssyncset.s32 @!p0 $0xFFFFF086;
	s6 =	sadd.s32 @!p0 s3, s7;
	s7 =	simm.s32 @!p0 $0x108  }
0x21: {  	s3 =	sadd.s32 s3, s9;
	s6 =	sadd.s32 @!p0 $0x88, s6;
	s7 =	simm.s32 @p2 $0x1082  }
0x22: {  	[simem:s7], [sflag:s8] =	dma.local @!p0 [hbm:s6], $0xF7A  }
0x23: {  	s9 =	sor.u32 $0xD0000000, s2;
	s6 =	simm.s32 $0x108;
	_ =	swait.ge @!p0 [sflag:s8], $0x0  }
0x24: {  	s3 =	sadd.s32 $0x88, s3;
	s6 =	simm.s32 @!p1 $0x1082;
	[sflag:s4] =	ssyncset.s32 $0xFFFFF086  }
0x25: {  	[simem:s6], [sflag:s4] =	dma.local [hbm:s3], $0xF7A  }
0x26: {  	[smem:$0x3F95] =	sst s1;
	(tag) =	ssettag s2;
	_ =	strace s9  }
0x27: {  	s1 =	sld [smem:$0x3FA5]  }
0x28: {  	s2 =	sld [smem:$0x3FA6]  }
0x29: {  	s4 =	sld [smem:$0x3FA8]  }
0x2a: {  	p0 =	seq.s32 s5, $0x0;
	s5 =	sld [smem:$0x3FA9]  }
0x2b: {  	s6 =	sld [smem:$0x3FAA]  }
0x2c: {  	s7 =	sld [smem:$0x3FAB]  }
0x2d: {  	s3 =	simm.s32 $0x108;
	s8 =	sld [smem:$0x3FAC]  }
0x2e: {  	s3 =	simm.s32 @!p0 $0x1082;
	s9 =	sld [smem:$0x3FAD]  }
0x2f: {  	lr =	sadd.s32 s0, s3;
	s0 =	sld [smem:$0x3FA4]  }
0x30: {  	s3 =	sld [smem:$0x3FA7]  }
0x31: {  	[smem:$0x3FB0] =	sst s10  }
0x32: {  	s10 =	sld [smem:$0x3FAE];
	_ =	sdelay $0x3  }
0x33: {  	p0 =	seq.s32 s10, $0x1;
	s10 =	sld [smem:$0x3FB0];
	_ =	sdelay $0x3  }
0x34: {  	[smem:$0x3FB0] =	sst s10  }
0x35: {  	s10 =	sld [smem:$0x3FAF];
	_ =	sdelay $0x3  }
0x36: {  	p1 =	seq.s32 s10, $0x1;
	s10 =	sld [smem:$0x3FB0];
	_ =	sdelay $0x3  }
0x37: {  	[smem:$0x3FB0] =	sst s10  }
0x38: {  	s10 =	sld [smem:$0x3FB1]  }
0x39: {  	_ = 	snop;
	(pc) =	sbr.ind lr, $3  }
0x3a: {  	_ = 	snop  }
0x3b: {  	_ = 	snop  }
0x3c: {  	p2 =	seq.s32 s10, $0x1;
	s10 =	sld [smem:$0x3FB0]  }
0x3d: {  	_ =	shalt  }
0x3e: {  	_ =	shalt  }
0x3f: {  	_ =	shalt  }
0x40: {  	_ =	shalt  }
0x41: {  	_ =	shalt  }
0x42: {  	_ =	shalt  }
0x43: {  	_ =	shalt  }
0x44: {  	_ =	shalt  }
0x45: {  	_ =	shalt  }
0x46: {  	_ =	shalt  }
0x47: {  	_ =	shalt  }
0x48: {  	_ =	shalt  }
0x49: {  	_ =	shalt  }
0x4a: {  	_ =	shalt  }
0x4b: {  	_ =	shalt  }
0x4c: {  	_ =	shalt  }
0x4d: {  	_ =	shalt  }
0x4e: {  	_ =	shalt  }
0x4f: {  	_ =	shalt  }
0x50: {  	_ =	shalt  }
0x51: {  	_ =	shalt  }
0x52: {  	_ =	shalt  }
0x53: {  	_ =	shalt  }
0x54: {  	_ =	shalt  }
0x55: {  	_ =	shalt  }
0x56: {  	_ =	shalt  }
0x57: {  	_ =	shalt  }
0x58: {  	_ =	shalt  }
0x59: {  	_ =	shalt  }
0x5a: {  	_ =	shalt  }
0x5b: {  	_ =	shalt  }
0x5c: {  	_ =	shalt  }
0x5d: {  	_ =	shalt  }
0x5e: {  	_ =	shalt  }
0x5f: {  	_ =	shalt  }
0x60: {  	_ =	shalt  }
0x61: {  	_ =	shalt  }
0x62: {  	_ =	shalt  }
0x63: {  	_ =	shalt  }
0x64: {  	_ =	shalt  }
0x65: {  	_ =	shalt  }
0x66: {  	_ =	shalt  }
0x67: {  	_ =	shalt  }
0x68: {  	_ =	shalt  }
0x69: {  	_ =	shalt  }
0x6a: {  	_ =	shalt  }
0x6b: {  	_ =	shalt  }
0x6c: {  	_ =	shalt  }
0x6d: {  	_ =	shalt  }
0x6e: {  	_ =	shalt  }
0x6f: {  	_ =	shalt  }
0x70: {  	_ =	shalt  }
0x71: {  	_ =	shalt  }
0x72: {  	_ =	shalt  }
0x73: {  	_ =	shalt  }
0x74: {  	_ =	shalt  }
0x75: {  	_ =	shalt  }
0x76: {  	_ =	shalt  }
0x77: {  	_ =	shalt  }
0x78: {  	_ =	shalt  }
0x79: {  	_ =	shalt  }
0x7a: {  	_ =	shalt  }
0x7b: {  	_ =	shalt  }
0x7c: {  	_ =	shalt  }
0x7d: {  	_ =	shalt  }
0x7e: {  	_ =	shalt  }
0x7f: {  	_ =	shalt  }
0x80: {  	_ =	shalt  }
0x81: {  	_ =	shalt  }
0x82: {  	_ =	shalt  }
0x83: {  	_ =	shalt  }
0x84: {  	_ =	shalt  }
0x85: {  	_ =	shalt  }
0x86: {  	_ =	shalt  }
0x87: {  	_ =	shalt  }
.Lfunc_end0:
.L_simem_size_0:
called_computation_lowered:
.L_overlay_start_0:
0x88: {  	s2 =	sld [smem:$0x3FD9]  }
0x89: {  	s3 =	sld [smem:$0x3FFE];
	_ =	sdelay $0x1  }
0x8a: {  	s1 =	srdreg.scid  }
0x8b: {  	s0 =	sand.u32 $0x1, s1  }
0x8c: {  	s17 =	sshll.u32 s0, $0xA;
	s2 =	sadd.s32 s3, s2  }
0x8d: {  	s2 =	sadd.s32 s2, s17  }
0x8e: {  	[smem:$0x3FBC] =	sst s2  }
0x8f: {  	_ = 	snop  }
0x90: {  	s2 =	sld [smem:$0x3FD0];
	(tm) =	ssettm $0x1  }
0x91: {  	s18 =	sld [smem:$0x3FFB];
	_ =	sdelay $0x3  }
0x92: {  	_ =	strace s18  }
0x93: {  	s3 =	sld [smem:$0x3FFC];
	_ =	sdelay $0x3  }
0x94: {  	_ =	strace s3  }
0x95: {  	s3 =	sld [smem:$0x3FFD];
	_ =	sdelay $0x3  }
0x96: {  	_ =	strace s3  }
0x97: {  	_ =	strace $0x8FFFFFFF  }
0x98: {  	s19 =	sld [smem:$0x3FDB];
	_ =	sdelay $0x1  }
0x99: {  	s4 =	simm.s32 $_scs_section_size  }
0x9a: {  	s5 =	simm.s32 $_size__tile_overlayer_lowered;
	s6 =	simm.s32 $_tile_overlayer_lowered  }
0x9b: {  	s22 =	simm.s32 $0x1BFF;
	s21 =	sshll.u32 s6, $0x1;
	s3 =	sadd.s32 s4, s19  }
0x9c: {  	s7 =	simm.s32 $0x0;
	s20 =	sshll.u32 s5, $0x1;
	s5 =	sadd.s32 s21, s3  }
0x9d: {  	[timem:s7], [sflag:s22] =	dma.local [hbm:s5], s20  }
0x9e: {  	_ =	swait.ge [sflag:s22], s20  }
0x9f: {  	s4 =	ssub.s32 $0x0, s20;
	[sflag:s22] =	ssyncset.done $0x0  }
0xa0: {  	[sflag:s22] =	ssyncadd.s32 s4;
	_ =	sdelay $0x1  }
0xa1: {  	s23 =	simm.s32 $0x1B8B  }
0xa2: {  	_ =	swait.ge [sflag:s23], $0x1  }
0xa3: {  	[sflag:s23] =	ssyncset.done $0x0  }
0xa4: {  	s25 =	simm.s32 $0x1B8E;
	s24 =	sld [smem:$0x3FFE];
	[sflag:s23] =	ssyncadd.s32 $0xFFFFFFFF  }
0xa5: {  	s26 =	simm.s32 $execute0_lowered;
	[smem:$0x3FD2] =	sst s25  }
0xa6: {  	s5 =	sshll.u32 s26, $0x1;
	_ =	strace $0x80000046;
	[dreg:$0x1] =	wrdreg $0xFFFFFFFF  }
0xa7: {  	s28 =	simm.s32 $_size_execute0_lowered;
	s3 =	sadd.s32 s3, s5;
	[dreg:$0x0] =	wrdreg $0x0  }
0xa8: {  	s5 =	sshll.u32 s28, $0x1;
	[dreg:$0x2] =	wrdreg s3  }
0xa9: {  	[dreg:$0x3] =	wrdreg s5  }
0xaa: {  	[dreg:$0x4] =	wrdreg $0xC0  }
0xab: {  	_ =	task [dreg:s7], $0x5FFFF  }
0xac: {  	[dreg:$0x1] =	wrdreg $0xFFFFFFFF  }
0xad: {  	[dreg:$0x0] =	wrdreg $0x60  }
0xae: {  	[dreg:$0x2] =	wrdreg s24  }
0xaf: {  	[dreg:$0x3] =	wrdreg s2  }
0xb0: {  	[dreg:$0x4] =	wrdreg $0x9  }
0xb1: {  	_ =	task.clear_ibuf [dreg:s7], $0x5FFFF;
	_ =	strace $0x90000046  }
0xb2: {  	s29 =	simm.s32 $0x9;
	_ =	strace $0x80000048  }
0xb3: {  	_ =	swait.ge [sflag:s29], $0x1  }
0xb4: {  	[sflag:s29] =	ssyncadd.s32 $0xFFFFFFFF  }
0xb5: {  	_ =	strace $0x90000048  }
0xb6: {  	_ =	sfence  }
0xb7: {  	s30 =	sld [smem:$0x0];
	_ =	sdelay $0x2  }
0xb8: {  	s31 =	sshll.u32 s1, $0xD;
	s1 =	sshrl.u32 s1, $0x2  }
0xb9: {  	s3 =	sand.u32 $0x4000, s31;
	s1 =	sadd.s32 s1, s30  }
0xba: {  	s0 =	sor.u32 s3, s0;
	s1 =	sshll.u32 s1, $0x11  }
0xbb: {  	s0 =	sor.u32 s1, s0  }
0xbc: {  	s0 =	sadd.s32 $0x8F2B, s0  }
0xbd: {  	[sflag:s0] =	ssyncadd.remote.s32 $0x1  }
0xbe: {  	_ =	sfence.sel $0xFFFF  }
0xbf: {  	[dreg:$0x0] =	wrdreg $0xFFFFFFFF;
	(pc) =	sbr.abs _section_cstart, $3  }
0xc0: {  	[dreg:$0x1] =	wrdreg $0xFFFFFFFF  }
0xc1: {  	_ =	task.clear_ibuf [dreg:s7], $0x2FFFF;
	_ =	strace $0x9FFFFFFF  }
0xc2: {  	(tm) =	ssettm $0x7FFFFFFF  }
0xc3: {  	_ =	shalt  }
tec
execute0_lowered:
.L_overlay_start_1:
0x0: {  	(tag) =	ssettag $0x1  }
0x1: {  	s2 =	rddreg [dreg:$0x0]  }
0x2: {  	s5 =	rddreg [dreg:$0x1];
	s3 =	srdreg.scid  }
0x3: {  	s0 =	rddreg [dreg:$0x2];
	s1 =	stileid.u32;
	s6 =	sand.u32 $0x1, s3  }
0x4: {  	s3 =	simm.s32 $0x0;
	s4 =	sshll.u32 s1, $0x8;
	s8 =	sshrl.u32 s1, $0x2  }
0x5: {  	s11 =	sshrl.u32 s1, $0x1;
	s7 =	sshll.u32 s6, $0x7;
	[smem:$0x7FF] =	sst s3  }
0x6: {  	s10 =	sshll.u32 s8, $0xA;
	s6 =	ssub.s32 $0x2, s6;
	s12 =	sshll.u32 s11, $0x9  }
0x7: {  	s28 =	sshll.u32 s8, $0xE;
	s29 =	sshll.u32 s11, $0x6;
	s8 =	simm.s32 $0x1  }
0x8: {  	s11 =	simm.s32 $0x80;
	s7 =	sor.u32 s7, s4;
	_ =	strace $0x80000047  }
0x9: {  	s4 =	sadd.s32 $0x1000, s2;
	s13 =	sshrl.u32 s6, $0x1;
	s31 =	sadd.s32 $0x40, s29  }
0xa: {  	s14 =	scvt.s32.f32 s29;
	s9 =	sand.u32 $0x380, s7;
	s7 =	ssub.s32 s7, s12  }
0xb: {  	s25 =	ssub.s32 s6, s13;
	s15 =	scvt.s32.f32 s31;
	s12 =	simm.s32 $0x400  }
0xc: {  	s13 =	simm.s32 $0x9080;
	s10 =	sor.u32 s10, s9;
	s26 =	scvt.s32.f32 s7  }
0xd: {  	s7 =	sadd.s32 $0x80, s7;
	s6 =	sor.u32 s28, s9;
	s9 =	simm.s32 $0x8000  }
0xe: {  	v3 =	vmov s14;
	s14 =	simm.s32 $0x0;
	s10 =	sshrl.u32 s10, $0x3;
	s30 =	scvt.s32.f32 s7  }
0xf: {  	v4 =	vimm.s32 $0x0;
	s6 =	sshrl.u32 s6, $0x3;
	s7 =	smax.u32 s25, $0x1;
	s10 =	sadd.s32 s10, s2  }
0x10: {  	v2 =	vmov s15;
	s5 =	sadd.s32 s5, s6;
	v1 =	vmov s26;
	s6 =	sadd.s32 $0x1200, s10;
	v0 =	vmov s30;
	s10 =	simm.s32 $0x8800  }
.LBB2_1:
0x11: {  	[tilespmem:s3], [sflag:$0x1] =	stream.linear.gather [hbm4b:s2+s3], $0x8000, $0x38;
	[tilespmem:$0x9100] =	vst v63  }
0x12: {  	_ =	swait.ge [sflag:s8], $0x8000  }
0x13: {  	[sflag:s8] =	ssyncset.done $0x0  }
0x14: {  	[sflag:s8] =	ssyncadd.s32 $0xFFFF8000  }
0x15: {  	[tilespmem:s9], [sflag:$0x1] =	stream.linear.gather [hbm4b:s4+s3], $0x800, $0x38;
	[tilespmem:$0x9100] =	vst v63  }
0x16: {  	_ =	swait.ge [sflag:s8], $0x800  }
0x17: {  	[sflag:s8] =	ssyncset.done $0x0  }
0x18: {  	s15 =	simm.s32 $0x0;
	[sflag:s8] =	ssyncadd.s32 $0xFFFFF800  }
0x19: {  	v5 =	vld [tilespmem:s15+$0x8000];
	_ =	sdelay $0x4  }
0x1a: {  	v6 =	vadd.s32 $0x4800, v5  }
0x1b: {  	v7 =	vadd.s32 $0x5800, v5  }
0x1c: {  	v8 =	vadd.s32 $0x5000, v5  }
0x1d: {  	v9 =	vadd.s32 $0x6000, v5  }
0x1e: {  	v10 =	vadd.s32 $0x2800, v5  }
0x1f: {  	v6 =	vld.idx.msk [tilespmem:v6+s3+$0x0], $0xffff  }
0x20: {  	v7 =	vld.idx.msk [tilespmem:v7+s3+$0x0], $0xffff  }
0x21: {  	v8 =	vld.idx.msk [tilespmem:v8+s3+$0x0], $0xffff  }
0x22: {  	v9 =	vld.idx.msk [tilespmem:v9+s3+$0x0], $0xffff  }
0x23: {  	v10 =	vld.idx.msk [tilespmem:v10+s3+$0x0], $0xffff;
	_ =	sdelay $0x1  }
0x24: {  	vm0 =	vlt.f32 v6, v0;
	vm1 =	vlt.f32 v7, v2  }
0x25: {  	vm2 =	vgt.f32 v8, v1;
	vm0 =	vmand vm0, vm1  }
0x26: {  	vm14 =	vgt.f32 v9, v3;
	vm0 =	vmand vm0, vm2  }
0x27: {  	vm15 =	vgt.f32 v10, $0.0e+00;
	vm0 =	vmand vm0, vm14  }
0x28: {  	vm0 =	vmand vm0, vm15  }
0x29: {  	v6 =	vsel vm0, $0x1, v4  }
0x2a: {  	(xrf0) =	vadd.scan.msk.s32 $0xffff, v6;
	_ =	sdelay $0x4  }
0x2b: {  	v6 =	vsel vm0, $0xFFFFFFFF, v4  }
0x2c: {  	v6 =	vadd.s32 s3, v6;
	v7, _, _ =	vpop (xrf0)  }
0x2d: {  	v6 =	vadd.s32 v7, v6;
	(v2sf) =	vpush v7, $0xF  }
0x2e: {  	v6 =	vnsel vm0, $0x810, v6;
	_ =	sdelay $0x4  }
0x2f: {  	s31 =	simm.s32 $0x10;
	[tilespmem:v6+s10+$0x0] =	vst.idx.msk $0xffff, v5  }
0x30: {  	v5 =	vld [tilespmem:s31+$0x8000];
	_ =	sdelay $0x4  }
0x31: {  	v6 =	vadd.s32 $0x4800, v5;
	v9 =	vadd.s32 $0x5000, v5  }
0x32: {  	s16 =	simm.s32 $0x80;
	s15 =	simm.s32 $0x0;
	v10 =	vadd.s32 $0x5800, v5;
	v8 =	vadd.s32 $0x6000, v5;
	v7 =	vadd.s32 $0x2800, v5  }
.LBB2_2:
0x33: {  	p0 =	sne.s32 s16, $0x1FC0;
	s17 =	smov.u32 s16;
	s16 =	sadd.s32 $0x40, s16  }
0x34: {  	s18 =	spop (v2sf)  }
0x35: {  	s15 =	sadd.s32 s15, s18  }
0x36: {  	v9 =	vld.idx.msk [tilespmem:v9+s3+$0x0], $0xffff  }
0x37: {  	v6 =	vld.idx.msk [tilespmem:v6+s3+$0x0], $0xffff  }
0x38: {  	v10 =	vld.idx.msk [tilespmem:v10+s3+$0x0], $0xffff  }
0x39: {  	v8 =	vld.idx.msk [tilespmem:v8+s3+$0x0], $0xffff  }
0x3a: {  	v7 =	vld.idx.msk [tilespmem:v7+s3+$0x0], $0xffff;
	_ =	sdelay $0x2  }
0x3b: {  	vm0 =	vlt.f32 v6, v0  }
0x3c: {  	vm1 =	vgt.f32 v9, v1;
	vm2 =	vlt.f32 v10, v2  }
0x3d: {  	vm0 =	vmand vm0, vm2;
	vm2 =	vgt.f32 v8, v3  }
0x3e: {  	vm0 =	vmand vm0, vm1;
	vm1 =	vgt.f32 v7, $0.0e+00  }
0x3f: {  	vm0 =	vmand vm0, vm2  }
0x40: {  	vm0 =	vmand vm0, vm1  }
0x41: {  	v6 =	vsel vm0, $0xFFFFFFFF, v4;
	v7 =	vsel vm0, $0x1, v4  }
0x42: {  	(xrf0) =	vadd.scan.msk.s32 $0xffff, v7;
	_ =	sdelay $0x5  }
0x43: {  	v6 =	vadd.s32 s15, v6;
	v7, _, _ =	vpop (xrf0)  }
0x44: {  	v6 =	vadd.s32 v7, v6;
	(v2sf) =	vpush v7, $0xF  }
0x45: {  	v6 =	vnsel vm0, $0x810, v6;
	_ =	sdelay $0x4  }
0x46: {  	s17 =	sshra.s32 s17, $0x2;
	[tilespmem:v6+s10+$0x0] =	vst.idx.msk $0xffff, v5  }
0x47: {  	v5 =	vld [tilespmem:s17+$0x8000];
	_ =	sdelay $0x1  }
.Ltmp0:
0x48: {  	(pc) =	sbr.rel @p0 .LBB2_2-.Ltmp0, $3  }
0x49: {  	_ =	sdelay $0x1  }
0x4a: {  	v6 =	vadd.s32 $0x4800, v5;
	v9 =	vadd.s32 $0x5000, v5;
	v10 =	vadd.s32 $0x5800, v5  }
0x4b: {  	v8 =	vadd.s32 $0x6000, v5;
	v7 =	vadd.s32 $0x2800, v5  }
0x4c: {  	_ =	sdelay $0x3  }
0x4d: {  	v6 =	vld.idx.msk [tilespmem:v6+s3+$0x0], $0xffff  }
0x4e: {  	v10 =	vld.idx.msk [tilespmem:v10+s3+$0x0], $0xffff  }
0x4f: {  	v9 =	vld.idx.msk [tilespmem:v9+s3+$0x0], $0xffff  }
0x50: {  	v8 =	vld.idx.msk [tilespmem:v8+s3+$0x0], $0xffff  }
0x51: {  	v7 =	vld.idx.msk [tilespmem:v7+s3+$0x0], $0xffff;
	_ =	sdelay $0x1  }
0x52: {  	vm0 =	vlt.f32 v6, v0;
	vm1 =	vlt.f32 v10, v2  }
0x53: {  	vm2 =	vgt.f32 v9, v1;
	vm0 =	vmand vm0, vm1  }
0x54: {  	vm14 =	vgt.f32 v8, v3;
	vm0 =	vmand vm0, vm2  }
0x55: {  	vm15 =	vgt.f32 v7, $0.0e+00;
	vm0 =	vmand vm0, vm14  }
0x56: {  	vm0 =	vmand vm0, vm15  }
0x57: {  	v6 =	vsel vm0, $0x1, v4  }
0x58: {  	(xrf0) =	vadd.scan.msk.s32 $0xffff, v6;
	_ =	sdelay $0x5  }
0x59: {  	v6, _, _ =	vpop (xrf0)  }
0x5a: {  	(v2sf) =	vpush v6, $0xF;
	_ =	sdelay $0x7  }
0x5b: {  	s16 =	spop (v2sf)  }
0x5c: {  	s15 =	sadd.s32 s15, s16;
	v7 =	vsel vm0, $0xFFFFFFFF, v4  }
0x5d: {  	v7 =	vadd.s32 s15, v7  }
0x5e: {  	v6 =	vadd.s32 v6, v7  }
0x5f: {  	v6 =	vnsel vm0, $0x810, v6;
	_ =	sdelay $0x2  }
0x60: {  	s31 =	spop (v2sf)  }
0x61: {  	s15 =	sadd.s32 s15, s31  }
0x62: {  	[tilespmem:v6+s10+$0x0] =	vst.idx.msk $0xffff, v5;
	v5 =	vmov s15  }
0x63: {  	[tilespmem:$0x9080] =	vst v5  }
0x64: {  	[hbm4b:s5+s11] =	stream.strided.scatter [tilespmem:s10], [sflag:$0x1], $0x800, s12, s11, $0x38;
	[tilespmem:$0x9100] =	vst v63  }
0x65: {  	s14 =	sadd.s32 $0x1, s14;
	_ =	swait.ge [sflag:s8], $0x800  }
0x66: {  	p0 =	sne.s32 s14, s7;
	[sflag:s8] =	ssyncset.done $0x0  }
.Ltmp1:
0x67: {  	[sflag:s8] =	ssyncadd.s32 $0xFFFFF800;
	(pc) =	sbr.rel @p0 .LBB2_1-.Ltmp1, $4  }
0x68: {  	[hbm4b:s6+s3] =	stream.linear.scatter [tilespmem:s13], [sflag:$0x1], $0x10, $0x38;
	[tilespmem:$0x9100] =	vst v63  }
0x69: {  	_ =	swait.ge [sflag:s8], $0x10  }
0x6a: {  	[sflag:s8] =	ssyncset.done $0x0  }
0x6b: {  	[sflag:s8] =	ssyncadd.s32 $0xFFFFFFF0  }
0x6c: {  	_ =	sfence.sel $0x180000  }
0x6d: {  	[bflag:$0x0] =	sbarrier.arrive $0xFFFF  }
0x6e: {  	p0 =	sne.s32 s1, $0x0;
	_ =	strace $0x90000047  }
0x6f: {  	s0 =	sadd.s32 @!p0 $0x100000, s0;
	[bflag:$0x2] =	sbarrier.arrive $0xFFFF  }
0x70: {  	[sflag:s0] =	ssyncadd.tile.s32 @!p0 $0x1;
	_ =	shalt  }
.Lfunc_end2:
_tile_overlayer_lowered:
.L_overlay_start_2:
0x71: {  	(tag) =	ssettag $0x2  }
0x72: {  	s0 =	rddreg [dreg:$0x0];
	s2 =	stileid.u32  }
0x73: {  	s1 =	rddreg [dreg:$0x1];
	p0 =	sne.s32 s2, $0x0  }
0x74: {  	s3 =	rddreg [dreg:$0x2];
	[bflag:$0x3] =	sbarrier.arrive $0xFFFF;
	s2 =	simm.s32 @!p0 $0x1C01  }
0x75: {  	[timem:s3], [sflag:s2] =	dma.local @!p0 [hbm:s0], s1  }
0x76: {  	s0 =	simm.s32 @!p0 $0x1  }
0x77: {  	_ =	swait.ge @!p0 [sflag:s0], s1  }
0x78: {  	s1 =	ssub.s32 @!p0 $0x0, s1;
	[sflag:s0] =	ssyncset.done @!p0 $0x0  }
0x79: {  	[sflag:s0] =	ssyncadd.s32 @!p0 s1  }
0x7a: {  	[bflag:$0x3] =	sbarrier.arrive $0xFFFF  }
0x7b: {  	_ =	shalt  }

</sc_bundles>
